<compile_context>
chip_gen: v7x
topology: tpu7x:2x2x1
jax: 0.10.2.dev20260603
libtpu: 0.0.44.dev20260713+nightly
codegen_flags: <defaults>
</compile_context>

<pallas_src>
import functools

import jax
import jax.numpy as jnp
from jax import lax
from jax.experimental import pallas as pl
from jax.experimental.pallas import tpu as pltpu
from jax.experimental.pallas import tpu_sc as plsc



def _sc_gather_groups(table, idx):
    V, D = table.shape
    (B,) = idx.shape
    info = plsc.get_sparse_core_info()
    nw = info.num_cores * info.num_subcores
    b_per_w = B // nw
    mesh = plsc.VectorSubcoreMesh(core_axis_name="c", subcore_axis_name="s")

    @functools.partial(
        pl.kernel,
        mesh=mesh,
        compiler_params=pltpu.CompilerParams(use_tc_tiling_on_sc=True),
        out_type=jax.ShapeDtypeStruct((B, 8, D), table.dtype),
        scratch_types=[
            pltpu.VMEM((b_per_w,), jnp.int32),
            pltpu.VMEM((8, 8, D), table.dtype),
            pltpu.SemaphoreType.DMA,
            pltpu.SemaphoreType.DMA,
        ],
    )
    def k(table_hbm, idx_hbm, out_hbm, idx_v, rows_v, sem_i, sem_o):
        wid = lax.axis_index("s") * info.num_cores + lax.axis_index("c")
        base = wid * b_per_w
        pltpu.sync_copy(idx_hbm.at[pl.ds(base, b_per_w)], idx_v)
        scalars = []
        for c in range(b_per_w // 16):
            vec = idx_v[pl.ds(c * 16, 16)]
            scalars.extend(vec[j] for j in range(16))
        for c in range(b_per_w // 8):
            descs = [
                pltpu.async_copy(
                    table_hbm.at[
                        pl.ds(pl.multiple_of(scalars[c * 8 + t], 8), 8), :
                    ],
                    rows_v.at[t],
                    sem_i,
                )
                for t in range(8)
            ]
            for d in descs:
                d.wait()
            pltpu.async_copy(
                rows_v, out_hbm.at[pl.ds(base + c * 8, 8)], sem_o
            ).wait()

    return k(table, idx)



def _mm_norm_body(x_ref, w_ref, o_ref):
    y = jnp.dot(x_ref[...], w_ref[...], preferred_element_type=jnp.float32)
    n = jnp.sqrt(jnp.sum(y * y, axis=1, keepdims=True))
    o_ref[...] = y / jnp.maximum(n, 1e-12)


def _mm_norm(x, w, bm):
    M, K = x.shape
    _, N = w.shape
    return pl.pallas_call(
        _mm_norm_body,
        grid=(M // bm,),
        in_specs=[
            pl.BlockSpec((bm, K), lambda i: (i, 0)),
            pl.BlockSpec((K, N), lambda i: (0, 0)),
        ],
        out_specs=pl.BlockSpec((bm, N), lambda i: (i, 0)),
        out_shape=jax.ShapeDtypeStruct((M, N), jnp.float32),
    )(x, w)



def _sel_mm_norm_body(g_ref, oh_ref, w_ref, o_ref):
    x = jax.lax.dot_general(
        oh_ref[...], g_ref[...],
        dimension_numbers=(((1,), (1,)), ((0,), (0,))),
        preferred_element_type=jnp.float32,
    )
    y = jnp.dot(x, w_ref[...], preferred_element_type=jnp.float32)
    n = jnp.sqrt(jnp.sum(y * y, axis=1, keepdims=True))
    o_ref[...] = y / jnp.maximum(n, 1e-12)


def _sel_mm_norm(groups, onehot, w, bm):
    M, S, D = groups.shape
    _, N = w.shape
    return pl.pallas_call(
        _sel_mm_norm_body,
        grid=(M // bm,),
        in_specs=[
            pl.BlockSpec((bm, S, D), lambda i: (i, 0, 0)),
            pl.BlockSpec((bm, S), lambda i: (i, 0)),
            pl.BlockSpec((D, N), lambda i: (0, 0)),
        ],
        out_specs=pl.BlockSpec((bm, N), lambda i: (i, 0)),
        out_shape=jax.ShapeDtypeStruct((M, N), jnp.float32),
    )(groups, onehot, w)




def _sc_min_probe(idx):
    (B,) = idx.shape
    info = plsc.get_sparse_core_info()
    nw = info.num_cores * info.num_subcores
    b_per_w = B // nw
    mesh = plsc.VectorSubcoreMesh(core_axis_name="c", subcore_axis_name="s")

    @functools.partial(
        pl.kernel,
        mesh=mesh,
        out_type=jax.ShapeDtypeStruct((B,), jnp.int32),
        scratch_types=[
            pltpu.VMEM((b_per_w,), jnp.int32),
        ],
    )
    def k(idx_hbm, out_hbm, idx_v):
        wid = lax.axis_index("s") * info.num_cores + lax.axis_index("c")
        base = wid * b_per_w
        pltpu.sync_copy(idx_hbm.at[pl.ds(base, b_per_w)], idx_v)
        pltpu.sync_copy(idx_v, out_hbm.at[pl.ds(base, b_per_w)])

    return k(idx)

def kernel(P, L, seq_emb, label_emb, W_p, W_l):
    del L
    Pi = P.astype(jnp.int32)
    Pi = _sc_min_probe(Pi)
    groups = jnp.zeros((1024, 8, 1100), jnp.float32)
    onehot = (Pi[:, None] % 8 == jnp.arange(8)[None, :]).astype(jnp.float32)
    P_e = _sel_mm_norm(groups, onehot, W_p, bm=256)
    L_e = _mm_norm(label_emb, W_l, bm=1600)
    return (P_e, L_e)

# --- scband reference (transcript-rebuilt; emitter-appended) ---
"""Pipeline reference for scband-pro-tcl-13889924235947 (READ-ONLY COPY).

The authoritative reference and input builder live on the scoring server;
editing this copy changes nothing except your own understanding.
"""

import jax, jax.numpy as jnp
import numpy as np

NUM_SEQ = 100000
PROT_DIM = 1100
NUM_LABELS = 32000
LABEL_DIM = 768
LATENT = 1024
BATCH = 1024


def _normalize(x, axis=1, eps=1e-12):
    n = jnp.linalg.norm(x, axis=axis, keepdims=True)
    return x / jnp.maximum(n, eps)


def setup_inputs(seed: int = 0) -> dict:
    key = jax.random.key(seed)
    k1, k2, k3, k4, k5 = jax.random.split(key, 5)
    P = jax.random.randint(k1, (BATCH,), 0, NUM_SEQ)
    # all-ones label mask -> collapsed_labels selects every label (static shape)
    L = jnp.ones((BATCH, NUM_LABELS), dtype=bool)
    seq_emb = jax.random.normal(k2, (NUM_SEQ, PROT_DIM), dtype=jnp.float32)
    label_emb = jax.random.normal(k3, (NUM_LABELS, LABEL_DIM), dtype=jnp.float32)
    W_p = jax.random.normal(k4, (PROT_DIM, LATENT), dtype=jnp.float32) * 0.02
    W_l = jax.random.normal(k5, (LABEL_DIM, LATENT), dtype=jnp.float32) * 0.02
    return {"P": P, "L": L, "seq_emb": seq_emb, "label_emb": label_emb, "W_p": W_p, "W_l": W_l}


def reference(P, L, seq_emb, label_emb, W_p, W_l):
    # collapsed_labels = torch.any(L, dim=0)
    collapsed = jnp.any(L, axis=0)
    idx = jnp.nonzero(collapsed, size=collapsed.shape[0])[0]
    # L_f = pretrained_label_embeddings.weight[collapsed_labels]
    L_f = jnp.take(label_emb, idx, axis=0)
    # P_f = pretrained_sequence_embeddings(P)
    P_f = jnp.take(seq_emb, P, axis=0)
    # P_e = F.normalize(W_p(P_f), dim=1); L_e = F.normalize(W_l(L_f), dim=1)
    P_e = _normalize(P_f @ W_p, axis=1)
    L_e = _normalize(L_f @ W_l, axis=1)
    return (P_e, L_e)

if __name__ == "__main__":
    import jax
    _d = setup_inputs()
    print(jax.jit(kernel)(*tuple(_d.values())))

</pallas_src>

<mosaic_0001>
#map = affine_map<(d0, d1) -> (0)>
module attributes {stable_mosaic.version = 14 : i64} {
  func.func @k(%arg0: i32, %arg1: i32, %arg2: memref<1024xi32, #tpu.memory_space<hbm>>, %arg3: memref<1024xi32, #tpu.memory_space<hbm>>, %arg4: memref<32xi32, #tpu.memory_space<vmem>>) attributes {dimension_semantics = [#tpu.dimension_semantics<core_parallel>, #tpu.dimension_semantics<subcore_parallel>], iteration_bounds = array<i64: 2, 16>, scalar_prefetch = 0 : i64, scratch_operands = 1 : i64, tpu.core_type = #tpu.core_type<sc_vector_subcore>, window_params = [{transform_indices = #map}, {transform_indices = #map}]} {
    %mul3A = arith.constant 2 : i32
    %mul3A_0 = arith.muli %arg1, %mul3A : i32
    %add3A = arith.addi %mul3A_0, %arg0 : i32
    %mul3A_1 = arith.constant 32 : i32
    %mul3A_2 = arith.muli %add3A, %mul3A_1 : i32
    "tpu.region"() ({
      %run_scoped3A = tpu.sem_alloc : memref<!tpu.dma_semaphore, #tpu.memory_space<semaphore_mem>>
      %dma_start3A = tpu.memref_slice %arg2[%mul3A_2] : memref<1024xi32, #tpu.memory_space<hbm>> -> memref<32xi32, #tpu.memory_space<hbm>>
      %dma_start3A_3 = tpu.memref_slice %arg2[%mul3A_2] : memref<1024xi32, #tpu.memory_space<hbm>> -> memref<32xi32, #tpu.memory_space<hbm>>
      tpu.enqueue_dma source(%dma_start3A_3 : memref<32xi32, #tpu.memory_space<hbm>>) target(%arg4 : memref<32xi32, #tpu.memory_space<vmem>>) target_semaphore(%run_scoped3A : memref<!tpu.dma_semaphore, #tpu.memory_space<semaphore_mem>>)
      %dma_wait3A = tpu.memref_slice %arg2[%mul3A_2] : memref<1024xi32, #tpu.memory_space<hbm>> -> memref<32xi32, #tpu.memory_space<hbm>>
      %dma_wait3A_4 = tpu.memref_slice %arg2[%mul3A_2] : memref<1024xi32, #tpu.memory_space<hbm>> -> memref<32xi32, #tpu.memory_space<hbm>>
      tpu.wait_dma2 semaphore(%run_scoped3A : memref<!tpu.dma_semaphore, #tpu.memory_space<semaphore_mem>>) src(%dma_wait3A_4 : memref<32xi32, #tpu.memory_space<hbm>>) dst(%arg4 : memref<32xi32, #tpu.memory_space<vmem>>)
      tpu.yield
    }) : () -> ()
    "tpu.region"() ({
      %run_scoped3A = tpu.sem_alloc : memref<!tpu.dma_semaphore, #tpu.memory_space<semaphore_mem>>
      %dma_start3A = tpu.memref_slice %arg3[%mul3A_2] : memref<1024xi32, #tpu.memory_space<hbm>> -> memref<32xi32, #tpu.memory_space<hbm>>
      %dma_start3A_3 = tpu.memref_slice %arg3[%mul3A_2] : memref<1024xi32, #tpu.memory_space<hbm>> -> memref<32xi32, #tpu.memory_space<hbm>>
      tpu.enqueue_dma source(%arg4 : memref<32xi32, #tpu.memory_space<vmem>>) target(%dma_start3A_3 : memref<32xi32, #tpu.memory_space<hbm>>) target_semaphore(%run_scoped3A : memref<!tpu.dma_semaphore, #tpu.memory_space<semaphore_mem>>)
      %dma_wait3A = tpu.memref_slice %arg3[%mul3A_2] : memref<1024xi32, #tpu.memory_space<hbm>> -> memref<32xi32, #tpu.memory_space<hbm>>
      %dma_wait3A_4 = tpu.memref_slice %arg3[%mul3A_2] : memref<1024xi32, #tpu.memory_space<hbm>> -> memref<32xi32, #tpu.memory_space<hbm>>
      tpu.wait_dma2 semaphore(%run_scoped3A : memref<!tpu.dma_semaphore, #tpu.memory_space<semaphore_mem>>) src(%arg4 : memref<32xi32, #tpu.memory_space<vmem>>) dst(%dma_wait3A_4 : memref<32xi32, #tpu.memory_space<hbm>>)
      tpu.yield
    }) : () -> ()
    return
  }
}

module attributes {stable_mosaic.version = 14 : i64} {
  func.func @_mm_norm_body(%arg0: i32, %arg1: memref<1600x768xf32, #tpu.memory_space<vmem>>, %arg2: memref<768x1024xf32, #tpu.memory_space<vmem>>, %arg3: memref<1600x1024xf32, #tpu.memory_space<vmem>>) attributes {dimension_semantics = [#tpu.dimension_semantics<arbitrary>], iteration_bounds = array<i64: 20>, scalar_prefetch = 0 : i64, scratch_operands = 0 : i64, tpu.core_type = #tpu.core_type<tc>, window_params = [{transform_indices = @transform_0, window_bounds = array<i64: 1600, 768>}, {pipeline_mode = #tpu.pipeline_mode<synchronous>, transform_indices = @transform_1, window_bounds = array<i64: 768, 1024>}, {transform_indices = @transform_2, window_bounds = array<i64: 1600, 1024>}]} {
    %get3A = arith.constant 0 : index
    %get3A_0 = arith.constant 0 : index
    %get3A_1 = vector.load %arg1[%get3A, %get3A_0] : memref<1600x768xf32, #tpu.memory_space<vmem>>, vector<1600x768xf32>
    %get3A_2 = arith.constant 0 : index
    %get3A_3 = arith.constant 0 : index
    %get3A_4 = vector.load %arg2[%get3A_2, %get3A_3] : memref<768x1024xf32, #tpu.memory_space<vmem>>, vector<768x1024xf32>
    %dot_general3A = arith.constant dense<0.000000e+00> : vector<1600x1024xf32>
    %dot_general3A_5 = tpu.matmul %get3A_1, %get3A_4, %dot_general3A {dimension_numbers = #tpu.dot_dimension_numbers<[1], [0], [0], [1], [0, 0, 1, 1], [], []>, transpose_lhs_hint = false} : vector<1600x768xf32>, vector<768x1024xf32>, vector<1600x1024xf32> -> vector<1600x1024xf32>
    %mul3A = arith.mulf %dot_general3A_5, %dot_general3A_5 : vector<1600x1024xf32>
    %reduce_sum3A = arith.constant dense<0.000000e+00> : vector<1600xf32>
    %reduce_sum3A_6 = vector.multi_reduction <add>, %mul3A, %reduce_sum3A [1] : vector<1600x1024xf32> to vector<1600xf32>
    %broadcast_in_dim3A = vector.shape_cast %reduce_sum3A_6 : vector<1600xf32> to vector<1600x1xf32>
    %sqrt3A = math.sqrt %broadcast_in_dim3A : vector<1600x1xf32>
    %max3A = arith.constant 9.99999996E-13 : f32
    %max3A_7 = vector.broadcast %max3A : f32 to vector<1600x1xf32>
    %max3A_8 = arith.maximumf %sqrt3A, %max3A_7 : vector<1600x1xf32>
    %div3A = vector.broadcast %max3A_8 : vector<1600x1xf32> to vector<1600x1024xf32>
    %div3A_9 = arith.divf %dot_general3A_5, %div3A : vector<1600x1024xf32>
    %swap3A = arith.constant 0 : index
    %swap3A_10 = arith.constant 0 : index
    %swap3A_11 = vector.load %arg3[%swap3A, %swap3A_10] : memref<1600x1024xf32, #tpu.memory_space<vmem>>, vector<1600x1024xf32>
    tpu.vector_store %arg3[%swap3A, %swap3A_10], %div3A_9 {strides = array<i32>} : memref<1600x1024xf32, #tpu.memory_space<vmem>>, vector<1600x1024xf32>,
    return
  }
  func.func @transform_0(%arg0: i32) -> (i32, i32) {
    %c0_i32 = arith.constant 0 : i32
    %c0_i32_0 = arith.constant 0 : i32
    return %arg0, %c0_i32 : i32, i32
  }
  func.func @transform_1(%arg0: i32) -> (i32, i32) {
    %c0_i32 = arith.constant 0 : i32
    %c0_i32_0 = arith.constant 0 : i32
    %c0_i32_1 = arith.constant 0 : i32
    return %c0_i32, %c0_i32_0 : i32, i32
  }
  func.func @transform_2(%arg0: i32) -> (i32, i32) {
    %c0_i32 = arith.constant 0 : i32
    %c0_i32_0 = arith.constant 0 : i32
    return %arg0, %c0_i32 : i32, i32
  }
}

module attributes {stable_mosaic.version = 14 : i64} {
  func.func @_sel_mm_norm_body(%arg0: i32, %arg1: memref<256x8x1100xf32, #tpu.memory_space<vmem>>, %arg2: memref<256x8xf32, #tpu.memory_space<vmem>>, %arg3: memref<1100x1024xf32, #tpu.memory_space<vmem>>, %arg4: memref<256x1024xf32, #tpu.memory_space<vmem>>) attributes {dimension_semantics = [#tpu.dimension_semantics<arbitrary>], iteration_bounds = array<i64: 4>, scalar_prefetch = 0 : i64, scratch_operands = 0 : i64, tpu.core_type = #tpu.core_type<tc>, window_params = [{transform_indices = @transform_0, window_bounds = array<i64: 256, 8, 1100>}, {transform_indices = @transform_1, window_bounds = array<i64: 256, 8>}, {pipeline_mode = #tpu.pipeline_mode<synchronous>, transform_indices = @transform_2, window_bounds = array<i64: 1100, 1024>}, {transform_indices = @transform_3, window_bounds = array<i64: 256, 1024>}]} {
    %get3A = arith.constant 0 : index
    %get3A_0 = arith.constant 0 : index
    %get3A_1 = vector.load %arg2[%get3A, %get3A_0] : memref<256x8xf32, #tpu.memory_space<vmem>>, vector<256x8xf32>
    %get3A_2 = arith.constant 0 : index
    %get3A_3 = arith.constant 0 : index
    %get3A_4 = arith.constant 0 : index
    %get3A_5 = vector.load %arg1[%get3A_2, %get3A_3, %get3A_4] : memref<256x8x1100xf32, #tpu.memory_space<vmem>>, vector<256x8x1100xf32>
    %dot_general3A = arith.constant dense<0.000000e+00> : vector<256x1100xf32>
    %dot_general3A_6 = tpu.matmul %get3A_1, %get3A_5, %dot_general3A {dimension_numbers = #tpu.dot_dimension_numbers<[1], [1], [], [2], [0, 0, 1, 2], [0], [0]>, transpose_lhs_hint = false} : vector<256x8xf32>, vector<256x8x1100xf32>, vector<256x1100xf32> -> vector<256x1100xf32>
    %get3A_7 = arith.constant 0 : index
    %get3A_8 = arith.constant 0 : index
    %get3A_9 = vector.load %arg3[%get3A_7, %get3A_8] : memref<1100x1024xf32, #tpu.memory_space<vmem>>, vector<1100x1024xf32>
    %dot_general3A_10 = arith.constant dense<0.000000e+00> : vector<256x1024xf32>
    %dot_general3A_11 = tpu.matmul %dot_general3A_6, %get3A_9, %dot_general3A_10 {dimension_numbers = #tpu.dot_dimension_numbers<[1], [0], [0], [1], [0, 0, 1, 1], [], []>, transpose_lhs_hint = false} : vector<256x1100xf32>, vector<1100x1024xf32>, vector<256x1024xf32> -> vector<256x1024xf32>
    %mul3A = arith.mulf %dot_general3A_11, %dot_general3A_11 : vector<256x1024xf32>
    %reduce_sum3A = arith.constant dense<0.000000e+00> : vector<256xf32>
    %reduce_sum3A_12 = vector.multi_reduction <add>, %mul3A, %reduce_sum3A [1] : vector<256x1024xf32> to vector<256xf32>
    %broadcast_in_dim3A = vector.shape_cast %reduce_sum3A_12 : vector<256xf32> to vector<256x1xf32>
    %sqrt3A = math.sqrt %broadcast_in_dim3A : vector<256x1xf32>
    %max3A = arith.constant 9.99999996E-13 : f32
    %max3A_13 = vector.broadcast %max3A : f32 to vector<256x1xf32>
    %max3A_14 = arith.maximumf %sqrt3A, %max3A_13 : vector<256x1xf32>
    %div3A = vector.broadcast %max3A_14 : vector<256x1xf32> to vector<256x1024xf32>
    %div3A_15 = arith.divf %dot_general3A_11, %div3A : vector<256x1024xf32>
    %swap3A = arith.constant 0 : index
    %swap3A_16 = arith.constant 0 : index
    %swap3A_17 = vector.load %arg4[%swap3A, %swap3A_16] : memref<256x1024xf32, #tpu.memory_space<vmem>>, vector<256x1024xf32>
    tpu.vector_store %arg4[%swap3A, %swap3A_16], %div3A_15 {strides = array<i32>} : memref<256x1024xf32, #tpu.memory_space<vmem>>, vector<256x1024xf32>,
    return
  }
  func.func @transform_0(%arg0: i32) -> (i32, i32, i32) {
    %c0_i32 = arith.constant 0 : i32
    %c0_i32_0 = arith.constant 0 : i32
    %c0_i32_1 = arith.constant 0 : i32
    return %arg0, %c0_i32, %c0_i32_0 : i32, i32, i32
  }
  func.func @transform_1(%arg0: i32) -> (i32, i32) {
    %c0_i32 = arith.constant 0 : i32
    %c0_i32_0 = arith.constant 0 : i32
    return %arg0, %c0_i32 : i32, i32
  }
  func.func @transform_2(%arg0: i32) -> (i32, i32) {
    %c0_i32 = arith.constant 0 : i32
    %c0_i32_0 = arith.constant 0 : i32
    %c0_i32_1 = arith.constant 0 : i32
    return %c0_i32, %c0_i32_0 : i32, i32
  }
  func.func @transform_3(%arg0: i32) -> (i32, i32) {
    %c0_i32 = arith.constant 0 : i32
    %c0_i32_0 = arith.constant 0 : i32
    return %arg0, %c0_i32 : i32, i32
  }
}

</mosaic_0001>

<sc_bundles>
// kernel: kernel.5.cloned.1.call-start
scs
__scs_entry_jumppad:
0x0: {  	(pc) =	sbr.rel $0x88, $3  }
0x1: {  	(tag) =	ssettag $0x0;
	lr =	simm.s32 $0x1  }
0x2: {  	[smem:$0x3F9D] =	sst lr;
	_ =	strace $0xD0000000  }
0x3: {  	_ = 	snop  }
0x4: {  	_ = 	snop  }
0x5: {  	_ = 	snop  }
0x6: {  	_ = 	snop  }
0x7: {  	_ = 	snop  }
__scs_overlays_trampoline_lowered:
0x8: {  	[smem:$0x3FAC] =	sst s0  }
0x9: {  	[smem:$0x3FAD] =	sst s1  }
0xa: {  	[smem:$0x3FAE] =	sst s2  }
0xb: {  	[smem:$0x3FAF] =	sst s3  }
0xc: {  	[smem:$0x3FB0] =	sst s4  }
0xd: {  	[smem:$0x3FB1] =	sst s5  }
0xe: {  	[smem:$0x3FB2] =	sst s6  }
0xf: {  	[smem:$0x3FB3] =	sst s7  }
0x10: {  	[smem:$0x3FB4] =	sst s8  }
0x11: {  	[smem:$0x3FB5] =	sst s9;
	s0 =	simm.s32 @!p0 $0x0  }
0x12: {  	s1 =	sld [smem:$0x3F9B];
	s0 =	simm.s32 @p0 $0x1  }
0x13: {  	[smem:$0x3FB6] =	sst s0;
	s0 =	simm.s32 @!p1 $0x0  }
0x14: {  	s2 =	sld [smem:$0x3F9A];
	s0 =	simm.s32 @p1 $0x1  }
0x15: {  	[smem:$0x3FB7] =	sst s0;
	s0 =	simm.s32 @!p2 $0x0  }
0x16: {  	s3 =	sld [smem:$0x3FDB];
	s0 =	simm.s32 @p2 $0x1  }
0x17: {  	s4 =	simm.s32 $0x1BF5;
	[smem:$0x3FB9] =	sst s0  }
0x18: {  	s0 =	sld [smem:$0x3F9C];
	_ =	swait.ge [sflag:s4], $0x0  }
0x19: {  	s7 =	sld [smem:$0x3F9D]  }
0x1a: {  	s8 =	sadd.s32 $0xFFFFE003, lr  }
0x1b: {  	s9 =	sadd.s32 $0xFFFFFEF7, lr;
	s5 =	simm.s32 $0xFFFFFFFF;
	p2 =	slt.u32 s8, $0xFFFFF086  }
0x1c: {  	p1 =	slt.u32 s9, $0xF7A;
	s5 =	simm.s32 @!p2 $0x0  }
0x1d: {  	s5 =	simm.s32 @p1 $0x1;
	p0 =	seq.s32 s7, s2  }
0x1e: {  	s7 =	smul.u32 @!p0 $0xF7A, s2;
	p2 =	seq.s32 @!p0 s5, $0x0  }
0x1f: {  	s9 =	smul.u32 $0xF7A, s1;
	s8 =	simm.s32 @!p0 $0x1BF5;
	p2 =	por !p2, p0  }
0x20: {  	[sflag:s8] =	ssyncset.s32 @!p0 $0xFFFFF086;
	s6 =	sadd.s32 @!p0 s3, s7;
	s7 =	simm.s32 @!p0 $0x108  }
0x21: {  	s3 =	sadd.s32 s3, s9;
	s6 =	sadd.s32 @!p0 $0x88, s6;
	s7 =	simm.s32 @p2 $0x1082  }
0x22: {  	[simem:s7], [sflag:s8] =	dma.local @!p0 [hbm:s6], $0xF7A  }
0x23: {  	s9 =	sor.u32 $0xD0000000, s2;
	s6 =	simm.s32 $0x108;
	_ =	swait.ge @!p0 [sflag:s8], $0x0  }
0x24: {  	s3 =	sadd.s32 $0x88, s3;
	s6 =	simm.s32 @!p1 $0x1082;
	[sflag:s4] =	ssyncset.s32 $0xFFFFF086  }
0x25: {  	[simem:s6], [sflag:s4] =	dma.local [hbm:s3], $0xF7A  }
0x26: {  	[smem:$0x3F9D] =	sst s1;
	(tag) =	ssettag s2;
	_ =	strace s9  }
0x27: {  	s1 =	sld [smem:$0x3FAD]  }
0x28: {  	s2 =	sld [smem:$0x3FAE]  }
0x29: {  	s4 =	sld [smem:$0x3FB0]  }
0x2a: {  	p0 =	seq.s32 s5, $0x0;
	s5 =	sld [smem:$0x3FB1]  }
0x2b: {  	s6 =	sld [smem:$0x3FB2]  }
0x2c: {  	s7 =	sld [smem:$0x3FB3]  }
0x2d: {  	s3 =	simm.s32 $0x108;
	s8 =	sld [smem:$0x3FB4]  }
0x2e: {  	s3 =	simm.s32 @!p0 $0x1082;
	s9 =	sld [smem:$0x3FB5]  }
0x2f: {  	lr =	sadd.s32 s0, s3;
	s0 =	sld [smem:$0x3FAC]  }
0x30: {  	s3 =	sld [smem:$0x3FAF]  }
0x31: {  	[smem:$0x3FB8] =	sst s10  }
0x32: {  	s10 =	sld [smem:$0x3FB6];
	_ =	sdelay $0x3  }
0x33: {  	p0 =	seq.s32 s10, $0x1;
	s10 =	sld [smem:$0x3FB8];
	_ =	sdelay $0x3  }
0x34: {  	[smem:$0x3FB8] =	sst s10  }
0x35: {  	s10 =	sld [smem:$0x3FB7];
	_ =	sdelay $0x3  }
0x36: {  	p1 =	seq.s32 s10, $0x1;
	s10 =	sld [smem:$0x3FB8];
	_ =	sdelay $0x3  }
0x37: {  	[smem:$0x3FB8] =	sst s10  }
0x38: {  	s10 =	sld [smem:$0x3FB9]  }
0x39: {  	_ = 	snop;
	(pc) =	sbr.ind lr, $3  }
0x3a: {  	_ = 	snop  }
0x3b: {  	_ = 	snop  }
0x3c: {  	p2 =	seq.s32 s10, $0x1;
	s10 =	sld [smem:$0x3FB8]  }
0x3d: {  	_ =	shalt  }
0x3e: {  	_ =	shalt  }
0x3f: {  	_ =	shalt  }
0x40: {  	_ =	shalt  }
0x41: {  	_ =	shalt  }
0x42: {  	_ =	shalt  }
0x43: {  	_ =	shalt  }
0x44: {  	_ =	shalt  }
0x45: {  	_ =	shalt  }
0x46: {  	_ =	shalt  }
0x47: {  	_ =	shalt  }
0x48: {  	_ =	shalt  }
0x49: {  	_ =	shalt  }
0x4a: {  	_ =	shalt  }
0x4b: {  	_ =	shalt  }
0x4c: {  	_ =	shalt  }
0x4d: {  	_ =	shalt  }
0x4e: {  	_ =	shalt  }
0x4f: {  	_ =	shalt  }
0x50: {  	_ =	shalt  }
0x51: {  	_ =	shalt  }
0x52: {  	_ =	shalt  }
0x53: {  	_ =	shalt  }
0x54: {  	_ =	shalt  }
0x55: {  	_ =	shalt  }
0x56: {  	_ =	shalt  }
0x57: {  	_ =	shalt  }
0x58: {  	_ =	shalt  }
0x59: {  	_ =	shalt  }
0x5a: {  	_ =	shalt  }
0x5b: {  	_ =	shalt  }
0x5c: {  	_ =	shalt  }
0x5d: {  	_ =	shalt  }
0x5e: {  	_ =	shalt  }
0x5f: {  	_ =	shalt  }
0x60: {  	_ =	shalt  }
0x61: {  	_ =	shalt  }
0x62: {  	_ =	shalt  }
0x63: {  	_ =	shalt  }
0x64: {  	_ =	shalt  }
0x65: {  	_ =	shalt  }
0x66: {  	_ =	shalt  }
0x67: {  	_ =	shalt  }
0x68: {  	_ =	shalt  }
0x69: {  	_ =	shalt  }
0x6a: {  	_ =	shalt  }
0x6b: {  	_ =	shalt  }
0x6c: {  	_ =	shalt  }
0x6d: {  	_ =	shalt  }
0x6e: {  	_ =	shalt  }
0x6f: {  	_ =	shalt  }
0x70: {  	_ =	shalt  }
0x71: {  	_ =	shalt  }
0x72: {  	_ =	shalt  }
0x73: {  	_ =	shalt  }
0x74: {  	_ =	shalt  }
0x75: {  	_ =	shalt  }
0x76: {  	_ =	shalt  }
0x77: {  	_ =	shalt  }
0x78: {  	_ =	shalt  }
0x79: {  	_ =	shalt  }
0x7a: {  	_ =	shalt  }
0x7b: {  	_ =	shalt  }
0x7c: {  	_ =	shalt  }
0x7d: {  	_ =	shalt  }
0x7e: {  	_ =	shalt  }
0x7f: {  	_ =	shalt  }
0x80: {  	_ =	shalt  }
0x81: {  	_ =	shalt  }
0x82: {  	_ =	shalt  }
0x83: {  	_ =	shalt  }
0x84: {  	_ =	shalt  }
0x85: {  	_ =	shalt  }
0x86: {  	_ =	shalt  }
0x87: {  	_ =	shalt  }
.Lfunc_end0:
.L_simem_size_0:
called_computation_lowered:
.L_overlay_start_0:
0x88: {  	s2 =	sld [smem:$0x3FD9]  }
0x89: {  	s3 =	sld [smem:$0x3FFE];
	_ =	sdelay $0x1  }
0x8a: {  	s1 =	srdreg.scid  }
0x8b: {  	s0 =	sand.u32 $0x1, s1  }
0x8c: {  	s15 =	sshll.u32 s0, $0xA;
	s2 =	sadd.s32 s3, s2  }
0x8d: {  	s2 =	sadd.s32 s2, s15  }
0x8e: {  	[smem:$0x3FC4] =	sst s2  }
0x8f: {  	_ = 	snop  }
0x90: {  	s2 =	sld [smem:$0x3FD0];
	_ =	sdelay $0x2  }
0x91: {  	s4 =	simm.s32 $0xA;
	s5 =	simm.s32 $0x10;
	s16 =	sld [smem:$0x3FC9]  }
0x92: {  	[smem:s5], [sflag:s4] =	dma.local [hbm:s2], $0x1  }
0x93: {  	_ =	swait.eq [sflag:s4], $0x1  }
0x94: {  	[sflag:s4] =	ssyncset.done $0x0  }
0x95: {  	[sflag:s4] =	ssyncadd.s32 $0xFFFFFFFF  }
0x96: {  	s17 =	sld [smem:$0x10];
	(tm) =	ssettm $0x1  }
0x97: {  	s18 =	sld [smem:$0x3FFB];
	_ =	sdelay $0x3  }
0x98: {  	_ =	strace s18  }
0x99: {  	s4 =	sld [smem:$0x3FFC];
	_ =	sdelay $0x3  }
0x9a: {  	_ =	strace s4  }
0x9b: {  	s4 =	sld [smem:$0x3FFD];
	_ =	sdelay $0x3  }
0x9c: {  	_ =	strace s4  }
0x9d: {  	_ =	strace $0x8FFFFFFF  }
0x9e: {  	s19 =	sld [smem:$0x3FDB];
	_ =	sdelay $0x1  }
0x9f: {  	s20 =	simm.s32 $_scs_section_size  }
0xa0: {  	s6 =	simm.s32 $_size__tile_overlayer_lowered;
	s7 =	simm.s32 $_tile_overlayer_lowered  }
0xa1: {  	s23 =	simm.s32 $0x1BFF;
	s22 =	sshll.u32 s7, $0x1;
	s4 =	sadd.s32 s20, s19  }
0xa2: {  	s8 =	simm.s32 $0x0;
	s21 =	sshll.u32 s6, $0x1;
	s6 =	sadd.s32 s22, s4  }
0xa3: {  	[timem:s8], [sflag:s23] =	dma.local [hbm:s6], s21  }
0xa4: {  	_ =	swait.ge [sflag:s23], s21  }
0xa5: {  	s5 =	ssub.s32 $0x0, s21;
	[sflag:s23] =	ssyncset.done $0x0  }
0xa6: {  	[sflag:s23] =	ssyncadd.s32 s5;
	_ =	sdelay $0x1  }
0xa7: {  	s24 =	simm.s32 $0x1B8B  }
0xa8: {  	_ =	swait.ge [sflag:s24], $0x1  }
0xa9: {  	[sflag:s24] =	ssyncset.done $0x0  }
0xaa: {  	s25 =	simm.s32 $0x1B8E;
	[sflag:s24] =	ssyncadd.s32 $0xFFFFFFFF  }
0xab: {  	s26 =	simm.s32 $execute0_lowered;
	[smem:$0x3FD2] =	sst s25  }
0xac: {  	s5 =	sshll.u32 s26, $0x1;
	_ =	strace $0x80000046;
	[dreg:$0x1] =	wrdreg $0xFFFFFFFF  }
0xad: {  	s28 =	simm.s32 $_size_execute0_lowered;
	s4 =	sadd.s32 s4, s5;
	[dreg:$0x0] =	wrdreg $0x0  }
0xae: {  	s5 =	sshll.u32 s28, $0x1;
	[dreg:$0x2] =	wrdreg s4  }
0xaf: {  	[dreg:$0x3] =	wrdreg s5  }
0xb0: {  	[dreg:$0x4] =	wrdreg $0xC0  }
0xb1: {  	_ =	task [dreg:s8], $0x5FFFF  }
0xb2: {  	[dreg:$0x1] =	wrdreg $0xFFFFFFFF  }
0xb3: {  	[dreg:$0x0] =	wrdreg $0x60  }
0xb4: {  	[dreg:$0x2] =	wrdreg s16  }
0xb5: {  	[dreg:$0x3] =	wrdreg s17  }
0xb6: {  	[dreg:$0x4] =	wrdreg $0x9  }
0xb7: {  	_ =	task.clear_ibuf [dreg:s8], $0x5FFFF;
	_ =	strace $0x90000046  }
0xb8: {  	s29 =	simm.s32 $0x9;
	_ =	strace $0x80000048  }
0xb9: {  	_ =	swait.ge [sflag:s29], $0x1  }
0xba: {  	[sflag:s29] =	ssyncadd.s32 $0xFFFFFFFF  }
0xbb: {  	_ =	strace $0x90000048  }
0xbc: {  	_ =	sfence  }
0xbd: {  	s30 =	sld [smem:$0x0];
	_ =	sdelay $0x2  }
0xbe: {  	s31 =	sshll.u32 s1, $0xD;
	s1 =	sshrl.u32 s1, $0x2  }
0xbf: {  	s3 =	sand.u32 $0x4000, s31;
	s1 =	sadd.s32 s1, s30  }
0xc0: {  	s0 =	sor.u32 s3, s0;
	s1 =	sshll.u32 s1, $0x11  }
0xc1: {  	s0 =	sor.u32 s1, s0  }
0xc2: {  	s0 =	sadd.s32 $0x8F2B, s0  }
0xc3: {  	[sflag:s0] =	ssyncadd.remote.s32 $0x1  }
0xc4: {  	_ =	sfence.sel $0xFFFF  }
0xc5: {  	[dreg:$0x0] =	wrdreg $0xFFFFFFFF;
	(pc) =	sbr.abs _section_cstart, $3  }
0xc6: {  	[dreg:$0x1] =	wrdreg $0xFFFFFFFF  }
0xc7: {  	_ =	task.clear_ibuf [dreg:s8], $0x2FFFF;
	_ =	strace $0x9FFFFFFF  }
0xc8: {  	(tm) =	ssettm $0x7FFFFFFF  }
0xc9: {  	_ =	shalt  }
tec
execute0_lowered:
.L_overlay_start_1:
0x0: {  	(tag) =	ssettag $0x1  }
0x1: {  	s3 =	rddreg [dreg:$0x0]  }
0x2: {  	s5 =	rddreg [dreg:$0x1]  }
0x3: {  	s0 =	rddreg [dreg:$0x2];
	s4 =	srdreg.scid  }
0x4: {  	s2 =	simm.s32 $0x0;
	s1 =	stileid.u32;
	s4 =	sand.u32 $0x1, s4  }
0x5: {  	s6 =	sshll.u32 s1, $0x3;
	s7 =	sshll.u32 s4, $0x2;
	s30 =	ssub.s32 $0x2, s4  }
0x6: {  	[smem:$0x7FF] =	sst s2;
	s6 =	sor.u32 s7, s6;
	s8 =	sshrl.u32 s30, $0x1  }
0x7: {  	_ =	strace $0x80000047;
	s4 =	sadd.s32 s3, s6;
	s7 =	ssub.s32 s30, s8  }
0x8: {  	[tilespmem:s2], [sflag:$0x1] =	stream.linear.gather [hbm4b:s4+s2], $0x20, $0x38;
	[tilespmem:$0x80] =	vst v63  }
0x9: {  	s3 =	simm.s32 $0x1;
	s31 =	smax.u32 s7, $0x1  }
0xa: {  	_ =	swait.ge [sflag:s3], $0x20;
	p0 =	sne.s32 s31, $0x1  }
.Ltmp0:
0xb: {  	[sflag:s3] =	ssyncset.done $0x0;
	(pc) =	sbr.rel @!p0 .LBB2_2-.Ltmp0, $4  }
0xc: {  	s5 =	sadd.s32 s5, s6;
	[sflag:s3] =	ssyncadd.s32 $0xFFFFFFE0  }
0xd: {  	[hbm4b:s5+s2] =	stream.linear.scatter [tilespmem:s2], [sflag:$0x1], $0x20, $0x38;
	[tilespmem:$0x80] =	vst v63  }
0xe: {  	_ =	swait.ge [sflag:s3], $0x20  }
0xf: {  	s6 =	sadd.s32 $0xFFFFFFFF, s31;
	[sflag:s3] =	ssyncset.done $0x0  }
.LBB2_1:
0x10: {  	p0 =	sne.s32 s6, $0x1;
	s6 =	sadd.s32 $0xFFFFFFFF, s6;
	[sflag:s3] =	ssyncadd.s32 $0xFFFFFFE0  }
0x11: {  	[tilespmem:s2], [sflag:$0x1] =	stream.linear.gather [hbm4b:s4+s2], $0x20, $0x38;
	[tilespmem:$0x80] =	vst v63  }
0x12: {  	_ =	swait.ge [sflag:s3], $0x20  }
.Ltmp1:
0x13: {  	[sflag:s3] =	ssyncset.done $0x0;
	(pc) =	sbr.rel @p0 .LBB2_1-.Ltmp1, $4  }
0x14: {  	[sflag:s3] =	ssyncadd.s32 $0xFFFFFFE0  }
0x15: {  	[hbm4b:s5+s2] =	stream.linear.scatter [tilespmem:s2], [sflag:$0x1], $0x20, $0x38;
	[tilespmem:$0x80] =	vst v63  }
0x16: {  	_ =	swait.ge [sflag:s3], $0x20  }
0x17: {  	[sflag:s3] =	ssyncset.done $0x0  }
.LBB2_2:
0x18: {  	[sflag:s3] =	ssyncadd.s32 $0xFFFFFFE0  }
0x19: {  	_ =	sfence.sel $0x180000  }
0x1a: {  	[bflag:$0x0] =	sbarrier.arrive $0xFFFF  }
0x1b: {  	p0 =	sne.s32 s1, $0x0;
	_ =	strace $0x90000047  }
0x1c: {  	s0 =	sadd.s32 @!p0 $0x100000, s0;
	[bflag:$0x2] =	sbarrier.arrive $0xFFFF  }
0x1d: {  	[sflag:s0] =	ssyncadd.tile.s32 @!p0 $0x1;
	_ =	shalt  }
.Lfunc_end2:
_tile_overlayer_lowered:
.L_overlay_start_2:
0x1e: {  	(tag) =	ssettag $0x2  }
0x1f: {  	s0 =	rddreg [dreg:$0x0];
	s2 =	stileid.u32  }
0x20: {  	s1 =	rddreg [dreg:$0x1];
	p0 =	sne.s32 s2, $0x0  }
0x21: {  	s3 =	rddreg [dreg:$0x2];
	[bflag:$0x3] =	sbarrier.arrive $0xFFFF;
	s2 =	simm.s32 @!p0 $0x1C01  }
0x22: {  	[timem:s3], [sflag:s2] =	dma.local @!p0 [hbm:s0], s1  }
0x23: {  	s0 =	simm.s32 @!p0 $0x1  }
0x24: {  	_ =	swait.ge @!p0 [sflag:s0], s1  }
0x25: {  	s1 =	ssub.s32 @!p0 $0x0, s1;
	[sflag:s0] =	ssyncset.done @!p0 $0x0  }
0x26: {  	[sflag:s0] =	ssyncadd.s32 @!p0 s1  }
0x27: {  	[bflag:$0x3] =	sbarrier.arrive $0xFFFF  }
0x28: {  	_ =	shalt  }

</sc_bundles>
